<compile_context>
chip_gen: v7x
topology: tpu7x:2x2x1
jax: 0.10.2.dev20260603
libtpu: 0.0.44.dev20260713+nightly
codegen_flags: <defaults>
</compile_context>

<pallas_src>
import functools
import math

import jax
import jax.numpy as jnp
from jax import lax
from jax.experimental import pallas as pl
from jax.experimental.pallas import tpu as pltpu
from jax.experimental.pallas import tpu_sc as plsc

N_NODES = 10000
N_PAD = 10240
N_EDGES = 320000
D_FEAT = 128
SCALE = 1.0 / math.sqrt(32.0)

NC = 2
NS = 16
NW = NC * NS
E_PER_W = N_EDGES // NW
CHUNK = 80
NCHUNK = E_PER_W // CHUNK
ROWS_PER_TILE = N_PAD // NS


def _sc_scatter_partials(x, idx3):
    mesh = plsc.VectorSubcoreMesh(core_axis_name="c", subcore_axis_name="s")

    @functools.partial(
        pl.kernel,
        mesh=mesh,
        out_type=jax.ShapeDtypeStruct((NC, N_PAD, D_FEAT), jnp.float32),
        scratch_types=[
            pltpu.VMEM_SHARED((N_PAD, D_FEAT), jnp.float32),
            pltpu.VMEM((CHUNK, D_FEAT), jnp.float32),
            pltpu.VMEM((NCHUNK, CHUNK), jnp.int32),
            pltpu.VMEM((CHUNK, D_FEAT), jnp.float32),
        ],
    )
    def body(x_hbm, idx_hbm, out_hbm, acc, xbuf, idxb, zbuf):
        core = lax.axis_index("c")
        sub = lax.axis_index("s")
        wid = core * NS + sub

        zeros16 = jnp.zeros((16,), jnp.float32)

        def zrow(r, _):
            for c in range(D_FEAT // 16):
                zbuf[r, pl.ds(c * 16, 16)] = zeros16
            return 0

        lax.fori_loop(0, CHUNK, zrow, 0)
        acc_base = sub * ROWS_PER_TILE
        for b in range(ROWS_PER_TILE // CHUNK):
            pltpu.sync_copy(zbuf, acc.at[pl.ds(acc_base + b * CHUNK, CHUNK), :])
        plsc.subcore_barrier()

        pltpu.sync_copy(idx_hbm.at[wid], idxb)

        ebase = wid * E_PER_W

        def chunk_body(j, _):
            pltpu.sync_copy(x_hbm.at[pl.ds(ebase + j * CHUNK, CHUNK), :], xbuf)
            pltpu.sync_copy(xbuf, acc.at[idxb.at[j]], add=True)
            return 0

        lax.fori_loop(0, NCHUNK, chunk_body, 0)
        plsc.subcore_barrier()

        pltpu.sync_copy(
            acc.at[pl.ds(acc_base, ROWS_PER_TILE), :],
            out_hbm.at[core, pl.ds(acc_base, ROWS_PER_TILE), :],
        )

    return body(x, idx3)


def _combine(p_ref, o_ref):
    o_ref[...] = (p_ref[0] + p_ref[1]) * SCALE


def _tc_combine(partials):
    rows = 400
    return pl.pallas_call(
        _combine,
        grid=(N_NODES // rows,),
        in_specs=[pl.BlockSpec((NC, rows, D_FEAT), lambda i: (0, i, 0))],
        out_specs=pl.BlockSpec((rows, D_FEAT), lambda i: (i, 0)),
        out_shape=jax.ShapeDtypeStruct((N_NODES, D_FEAT), jnp.float32),
    )(partials)


def kernel(x, index):
    idx3 = index.astype(jnp.int32).reshape(NW, NCHUNK, CHUNK)
    partials = _sc_scatter_partials(x, idx3)
    return _tc_combine(partials)

# --- scband reference (transcript-rebuilt; emitter-appended) ---
"""Pipeline reference for scband-scaled-scatter-16183436771997 (READ-ONLY COPY).

The authoritative reference and input builder live on the scoring server;
editing this copy changes nothing except your own understanding.
"""

import jax, jax.numpy as jnp
import numpy as np

N_NODES = 10000
N_EDGES = 320000
D_FEAT = 128
AVG_AGGREGATE_NUM = 32.0


def setup_inputs(seed: int = 0) -> dict:
    key = jax.random.key(seed)
    k1, k2 = jax.random.split(key)
    x = jax.random.normal(k1, (N_EDGES, D_FEAT), dtype=jnp.float32)
    index = jax.random.randint(k2, (N_EDGES,), 0, N_NODES, dtype=jnp.int64 if jax.config.jax_enable_x64 else jnp.int32)
    return {"x": x, "index": index}


def reference(x, index):
    # scatter-add of edge messages x into node buckets given by index,
    # then scale by 1/sqrt(avg_aggregate_num)
    out = jax.ops.segment_sum(x, index, num_segments=N_NODES)
    out = out / (AVG_AGGREGATE_NUM ** 0.5)
    return out

if __name__ == "__main__":
    import jax
    _d = setup_inputs()
    print(jax.jit(kernel)(*tuple(_d.values())))

</pallas_src>

<mosaic_0001>
#map = affine_map<(d0, d1) -> (0, 0)>
#map1 = affine_map<(d0, d1) -> (0, 0, 0)>
module attributes {stable_mosaic.version = 14 : i64} {
  func.func @body(%arg0: i32, %arg1: i32, %arg2: memref<320000x128xf32, #tpu.memory_space<hbm>>, %arg3: memref<32x125x80xi32, #tpu.memory_space<hbm>>, %arg4: memref<2x10240x128xf32, #tpu.memory_space<hbm>>, %arg5: memref<10240x128xf32, #tpu.memory_space<vmem_shared>>, %arg6: memref<80x128xf32, #tpu.memory_space<vmem>>, %arg7: memref<125x80xi32, #tpu.memory_space<vmem>>, %arg8: memref<80x128xf32, #tpu.memory_space<vmem>>) attributes {dimension_semantics = [#tpu.dimension_semantics<core_parallel>, #tpu.dimension_semantics<subcore_parallel>], iteration_bounds = array<i64: 2, 16>, scalar_prefetch = 0 : i64, scratch_operands = 4 : i64, tpu.core_type = #tpu.core_type<sc_vector_subcore>, window_params = [{transform_indices = #map}, {transform_indices = #map1}, {transform_indices = #map1}]} {
    %mul3A = arith.constant 16 : i32
    %mul3A_0 = arith.muli %arg0, %mul3A : i32
    %add3A = arith.addi %mul3A_0, %arg1 : i32
    %broadcast_in_dim3A = arith.constant 0.000000e+00 : f32
    %broadcast_in_dim3A_1 = vector.broadcast %broadcast_in_dim3A : f32 to vector<16xf32>
    %scan3A = arith.constant 0 : i32
    %scan3A_2 = arith.constant 0 : i32
    %scan3A_3 = arith.constant 80 : i32
    %scan3A_4 = arith.addi %scan3A_2, %scan3A_3 : i32
    %scan3A_5 = arith.constant 1 : i32
    %scan3A_6 = scf.for %scan3A_36 = %scan3A_2 to %scan3A_4 step %scan3A_5 iter_args(%scan3A_37 = %scan3A) -> (i32)  : i32 {
      %swap3A = arith.index_cast %scan3A_36 : i32 to index
      %swap3A_38 = arith.constant 0 : index
      %swap3A_39 = tpu.vector_load %arg8[%swap3A, %swap3A_38] {strides = array<i32>} : memref<80x128xf32, #tpu.memory_space<vmem>>, vector<1x16xf32>,
      %swap3A_40 = vector.shape_cast %swap3A_39 : vector<1x16xf32> to vector<16xf32>
      %swap3A_41 = vector.shape_cast %broadcast_in_dim3A_1 : vector<16xf32> to vector<1x16xf32>
      tpu.vector_store %arg8[%swap3A, %swap3A_38], %swap3A_41 {strides = array<i32>} : memref<80x128xf32, #tpu.memory_space<vmem>>, vector<1x16xf32>,
      %swap3A_42 = arith.index_cast %scan3A_36 : i32 to index
      %swap3A_43 = arith.constant 16 : index
      %swap3A_44 = tpu.vector_load %arg8[%swap3A_42, %swap3A_43] {strides = array<i32>} : memref<80x128xf32, #tpu.memory_space<vmem>>, vector<1x16xf32>,
      %swap3A_45 = vector.shape_cast %swap3A_44 : vector<1x16xf32> to vector<16xf32>
      %swap3A_46 = vector.shape_cast %broadcast_in_dim3A_1 : vector<16xf32> to vector<1x16xf32>
      tpu.vector_store %arg8[%swap3A_42, %swap3A_43], %swap3A_46 {strides = array<i32>} : memref<80x128xf32, #tpu.memory_space<vmem>>, vector<1x16xf32>,
      %swap3A_47 = arith.index_cast %scan3A_36 : i32 to index
      %swap3A_48 = arith.constant 32 : index
      %swap3A_49 = tpu.vector_load %arg8[%swap3A_47, %swap3A_48] {strides = array<i32>} : memref<80x128xf32, #tpu.memory_space<vmem>>, vector<1x16xf32>,
      %swap3A_50 = vector.shape_cast %swap3A_49 : vector<1x16xf32> to vector<16xf32>
      %swap3A_51 = vector.shape_cast %broadcast_in_dim3A_1 : vector<16xf32> to vector<1x16xf32>
      tpu.vector_store %arg8[%swap3A_47, %swap3A_48], %swap3A_51 {strides = array<i32>} : memref<80x128xf32, #tpu.memory_space<vmem>>, vector<1x16xf32>,
      %swap3A_52 = arith.index_cast %scan3A_36 : i32 to index
      %swap3A_53 = arith.constant 48 : index
      %swap3A_54 = tpu.vector_load %arg8[%swap3A_52, %swap3A_53] {strides = array<i32>} : memref<80x128xf32, #tpu.memory_space<vmem>>, vector<1x16xf32>,
      %swap3A_55 = vector.shape_cast %swap3A_54 : vector<1x16xf32> to vector<16xf32>
      %swap3A_56 = vector.shape_cast %broadcast_in_dim3A_1 : vector<16xf32> to vector<1x16xf32>
      tpu.vector_store %arg8[%swap3A_52, %swap3A_53], %swap3A_56 {strides = array<i32>} : memref<80x128xf32, #tpu.memory_space<vmem>>, vector<1x16xf32>,
      %swap3A_57 = arith.index_cast %scan3A_36 : i32 to index
      %swap3A_58 = arith.constant 64 : index
      %swap3A_59 = tpu.vector_load %arg8[%swap3A_57, %swap3A_58] {strides = array<i32>} : memref<80x128xf32, #tpu.memory_space<vmem>>, vector<1x16xf32>,
      %swap3A_60 = vector.shape_cast %swap3A_59 : vector<1x16xf32> to vector<16xf32>
      %swap3A_61 = vector.shape_cast %broadcast_in_dim3A_1 : vector<16xf32> to vector<1x16xf32>
      tpu.vector_store %arg8[%swap3A_57, %swap3A_58], %swap3A_61 {strides = array<i32>} : memref<80x128xf32, #tpu.memory_space<vmem>>, vector<1x16xf32>,
      %swap3A_62 = arith.index_cast %scan3A_36 : i32 to index
      %swap3A_63 = arith.constant 80 : index
      %swap3A_64 = tpu.vector_load %arg8[%swap3A_62, %swap3A_63] {strides = array<i32>} : memref<80x128xf32, #tpu.memory_space<vmem>>, vector<1x16xf32>,
      %swap3A_65 = vector.shape_cast %swap3A_64 : vector<1x16xf32> to vector<16xf32>
      %swap3A_66 = vector.shape_cast %broadcast_in_dim3A_1 : vector<16xf32> to vector<1x16xf32>
      tpu.vector_store %arg8[%swap3A_62, %swap3A_63], %swap3A_66 {strides = array<i32>} : memref<80x128xf32, #tpu.memory_space<vmem>>, vector<1x16xf32>,
      %swap3A_67 = arith.index_cast %scan3A_36 : i32 to index
      %swap3A_68 = arith.constant 96 : index
      %swap3A_69 = tpu.vector_load %arg8[%swap3A_67, %swap3A_68] {strides = array<i32>} : memref<80x128xf32, #tpu.memory_space<vmem>>, vector<1x16xf32>,
      %swap3A_70 = vector.shape_cast %swap3A_69 : vector<1x16xf32> to vector<16xf32>
      %swap3A_71 = vector.shape_cast %broadcast_in_dim3A_1 : vector<16xf32> to vector<1x16xf32>
      tpu.vector_store %arg8[%swap3A_67, %swap3A_68], %swap3A_71 {strides = array<i32>} : memref<80x128xf32, #tpu.memory_space<vmem>>, vector<1x16xf32>,
      %swap3A_72 = arith.index_cast %scan3A_36 : i32 to index
      %swap3A_73 = arith.constant 112 : index
      %swap3A_74 = tpu.vector_load %arg8[%swap3A_72, %swap3A_73] {strides = array<i32>} : memref<80x128xf32, #tpu.memory_space<vmem>>, vector<1x16xf32>,
      %swap3A_75 = vector.shape_cast %swap3A_74 : vector<1x16xf32> to vector<16xf32>
      %swap3A_76 = vector.shape_cast %broadcast_in_dim3A_1 : vector<16xf32> to vector<1x16xf32>
      tpu.vector_store %arg8[%swap3A_72, %swap3A_73], %swap3A_76 {strides = array<i32>} : memref<80x128xf32, #tpu.memory_space<vmem>>, vector<1x16xf32>,
      %scan3A_77 = arith.constant 0 : i32
      scf.yield %scan3A_77 : i32
    }
    %scan3A_7 = arith.constant 80 : i32
    %mul3A_8 = arith.constant 640 : i32
    %mul3A_9 = arith.muli %arg1, %mul3A_8 : i32
    %add3A_10 = arith.constant 0 : i32
    %add3A_11 = arith.addi %mul3A_9, %add3A_10 : i32
    "tpu.region"() ({
      %run_scoped3A = tpu.sem_alloc : memref<!tpu.dma_semaphore, #tpu.memory_space<semaphore_mem>>
      %dma_start3A = arith.constant 0 : i32
      %dma_start3A_36 = tpu.memref_slice %arg5[%add3A_11, %dma_start3A] : memref<10240x128xf32, #tpu.memory_space<vmem_shared>> -> memref<80x128xf32, #tpu.memory_space<vmem_shared>>
      %dma_start3A_37 = arith.constant 0 : i32
      %dma_start3A_38 = tpu.memref_slice %arg5[%add3A_11, %dma_start3A_37] : memref<10240x128xf32, #tpu.memory_space<vmem_shared>> -> memref<80x128xf32, #tpu.memory_space<vmem_shared>>
      tpu.enqueue_dma source(%arg8 : memref<80x128xf32, #tpu.memory_space<vmem>>) target(%dma_start3A_38 : memref<80x128xf32, #tpu.memory_space<vmem_shared>>) target_semaphore(%run_scoped3A : memref<!tpu.dma_semaphore, #tpu.memory_space<semaphore_mem>>)
      %dma_wait3A = arith.constant 0 : i32
      %dma_wait3A_39 = tpu.memref_slice %arg5[%add3A_11, %dma_wait3A] : memref<10240x128xf32, #tpu.memory_space<vmem_shared>> -> memref<80x128xf32, #tpu.memory_space<vmem_shared>>
      %dma_wait3A_40 = arith.constant 0 : i32
      %dma_wait3A_41 = tpu.memref_slice %arg5[%add3A_11, %dma_wait3A_40] : memref<10240x128xf32, #tpu.memory_space<vmem_shared>> -> memref<80x128xf32, #tpu.memory_space<vmem_shared>>
      tpu.wait_dma2 semaphore(%run_scoped3A : memref<!tpu.dma_semaphore, #tpu.memory_space<semaphore_mem>>) src(%arg8 : memref<80x128xf32, #tpu.memory_space<vmem>>) dst(%dma_wait3A_41 : memref<80x128xf32, #tpu.memory_space<vmem_shared>>)
      tpu.yield
    }) : () -> ()
    %add3A_12 = arith.constant 80 : i32
    %add3A_13 = arith.addi %mul3A_9, %add3A_12 : i32
    "tpu.region"() ({
      %run_scoped3A = tpu.sem_alloc : memref<!tpu.dma_semaphore, #tpu.memory_space<semaphore_mem>>
      %dma_start3A = arith.constant 0 : i32
      %dma_start3A_36 = tpu.memref_slice %arg5[%add3A_13, %dma_start3A] : memref<10240x128xf32, #tpu.memory_space<vmem_shared>> -> memref<80x128xf32, #tpu.memory_space<vmem_shared>>
      %dma_start3A_37 = arith.constant 0 : i32
      %dma_start3A_38 = tpu.memref_slice %arg5[%add3A_13, %dma_start3A_37] : memref<10240x128xf32, #tpu.memory_space<vmem_shared>> -> memref<80x128xf32, #tpu.memory_space<vmem_shared>>
      tpu.enqueue_dma source(%arg8 : memref<80x128xf32, #tpu.memory_space<vmem>>) target(%dma_start3A_38 : memref<80x128xf32, #tpu.memory_space<vmem_shared>>) target_semaphore(%run_scoped3A : memref<!tpu.dma_semaphore, #tpu.memory_space<semaphore_mem>>)
      %dma_wait3A = arith.constant 0 : i32
      %dma_wait3A_39 = tpu.memref_slice %arg5[%add3A_13, %dma_wait3A] : memref<10240x128xf32, #tpu.memory_space<vmem_shared>> -> memref<80x128xf32, #tpu.memory_space<vmem_shared>>
      %dma_wait3A_40 = arith.constant 0 : i32
      %dma_wait3A_41 = tpu.memref_slice %arg5[%add3A_13, %dma_wait3A_40] : memref<10240x128xf32, #tpu.memory_space<vmem_shared>> -> memref<80x128xf32, #tpu.memory_space<vmem_shared>>
      tpu.wait_dma2 semaphore(%run_scoped3A : memref<!tpu.dma_semaphore, #tpu.memory_space<semaphore_mem>>) src(%arg8 : memref<80x128xf32, #tpu.memory_space<vmem>>) dst(%dma_wait3A_41 : memref<80x128xf32, #tpu.memory_space<vmem_shared>>)
      tpu.yield
    }) : () -> ()
    %add3A_14 = arith.constant 160 : i32
    %add3A_15 = arith.addi %mul3A_9, %add3A_14 : i32
    "tpu.region"() ({
      %run_scoped3A = tpu.sem_alloc : memref<!tpu.dma_semaphore, #tpu.memory_space<semaphore_mem>>
      %dma_start3A = arith.constant 0 : i32
      %dma_start3A_36 = tpu.memref_slice %arg5[%add3A_15, %dma_start3A] : memref<10240x128xf32, #tpu.memory_space<vmem_shared>> -> memref<80x128xf32, #tpu.memory_space<vmem_shared>>
      %dma_start3A_37 = arith.constant 0 : i32
      %dma_start3A_38 = tpu.memref_slice %arg5[%add3A_15, %dma_start3A_37] : memref<10240x128xf32, #tpu.memory_space<vmem_shared>> -> memref<80x128xf32, #tpu.memory_space<vmem_shared>>
      tpu.enqueue_dma source(%arg8 : memref<80x128xf32, #tpu.memory_space<vmem>>) target(%dma_start3A_38 : memref<80x128xf32, #tpu.memory_space<vmem_shared>>) target_semaphore(%run_scoped3A : memref<!tpu.dma_semaphore, #tpu.memory_space<semaphore_mem>>)
      %dma_wait3A = arith.constant 0 : i32
      %dma_wait3A_39 = tpu.memref_slice %arg5[%add3A_15, %dma_wait3A] : memref<10240x128xf32, #tpu.memory_space<vmem_shared>> -> memref<80x128xf32, #tpu.memory_space<vmem_shared>>
      %dma_wait3A_40 = arith.constant 0 : i32
      %dma_wait3A_41 = tpu.memref_slice %arg5[%add3A_15, %dma_wait3A_40] : memref<10240x128xf32, #tpu.memory_space<vmem_shared>> -> memref<80x128xf32, #tpu.memory_space<vmem_shared>>
      tpu.wait_dma2 semaphore(%run_scoped3A : memref<!tpu.dma_semaphore, #tpu.memory_space<semaphore_mem>>) src(%arg8 : memref<80x128xf32, #tpu.memory_space<vmem>>) dst(%dma_wait3A_41 : memref<80x128xf32, #tpu.memory_space<vmem_shared>>)
      tpu.yield
    }) : () -> ()
    %add3A_16 = arith.constant 240 : i32
    %add3A_17 = arith.addi %mul3A_9, %add3A_16 : i32
    "tpu.region"() ({
      %run_scoped3A = tpu.sem_alloc : memref<!tpu.dma_semaphore, #tpu.memory_space<semaphore_mem>>
      %dma_start3A = arith.constant 0 : i32
      %dma_start3A_36 = tpu.memref_slice %arg5[%add3A_17, %dma_start3A] : memref<10240x128xf32, #tpu.memory_space<vmem_shared>> -> memref<80x128xf32, #tpu.memory_space<vmem_shared>>
      %dma_start3A_37 = arith.constant 0 : i32
      %dma_start3A_38 = tpu.memref_slice %arg5[%add3A_17, %dma_start3A_37] : memref<10240x128xf32, #tpu.memory_space<vmem_shared>> -> memref<80x128xf32, #tpu.memory_space<vmem_shared>>
      tpu.enqueue_dma source(%arg8 : memref<80x128xf32, #tpu.memory_space<vmem>>) target(%dma_start3A_38 : memref<80x128xf32, #tpu.memory_space<vmem_shared>>) target_semaphore(%run_scoped3A : memref<!tpu.dma_semaphore, #tpu.memory_space<semaphore_mem>>)
      %dma_wait3A = arith.constant 0 : i32
      %dma_wait3A_39 = tpu.memref_slice %arg5[%add3A_17, %dma_wait3A] : memref<10240x128xf32, #tpu.memory_space<vmem_shared>> -> memref<80x128xf32, #tpu.memory_space<vmem_shared>>
      %dma_wait3A_40 = arith.constant 0 : i32
      %dma_wait3A_41 = tpu.memref_slice %arg5[%add3A_17, %dma_wait3A_40] : memref<10240x128xf32, #tpu.memory_space<vmem_shared>> -> memref<80x128xf32, #tpu.memory_space<vmem_shared>>
      tpu.wait_dma2 semaphore(%run_scoped3A : memref<!tpu.dma_semaphore, #tpu.memory_space<semaphore_mem>>) src(%arg8 : memref<80x128xf32, #tpu.memory_space<vmem>>) dst(%dma_wait3A_41 : memref<80x128xf32, #tpu.memory_space<vmem_shared>>)
      tpu.yield
    }) : () -> ()
    %add3A_18 = arith.constant 320 : i32
    %add3A_19 = arith.addi %mul3A_9, %add3A_18 : i32
    "tpu.region"() ({
      %run_scoped3A = tpu.sem_alloc : memref<!tpu.dma_semaphore, #tpu.memory_space<semaphore_mem>>
      %dma_start3A = arith.constant 0 : i32
      %dma_start3A_36 = tpu.memref_slice %arg5[%add3A_19, %dma_start3A] : memref<10240x128xf32, #tpu.memory_space<vmem_shared>> -> memref<80x128xf32, #tpu.memory_space<vmem_shared>>
      %dma_start3A_37 = arith.constant 0 : i32
      %dma_start3A_38 = tpu.memref_slice %arg5[%add3A_19, %dma_start3A_37] : memref<10240x128xf32, #tpu.memory_space<vmem_shared>> -> memref<80x128xf32, #tpu.memory_space<vmem_shared>>
      tpu.enqueue_dma source(%arg8 : memref<80x128xf32, #tpu.memory_space<vmem>>) target(%dma_start3A_38 : memref<80x128xf32, #tpu.memory_space<vmem_shared>>) target_semaphore(%run_scoped3A : memref<!tpu.dma_semaphore, #tpu.memory_space<semaphore_mem>>)
      %dma_wait3A = arith.constant 0 : i32
      %dma_wait3A_39 = tpu.memref_slice %arg5[%add3A_19, %dma_wait3A] : memref<10240x128xf32, #tpu.memory_space<vmem_shared>> -> memref<80x128xf32, #tpu.memory_space<vmem_shared>>
      %dma_wait3A_40 = arith.constant 0 : i32
      %dma_wait3A_41 = tpu.memref_slice %arg5[%add3A_19, %dma_wait3A_40] : memref<10240x128xf32, #tpu.memory_space<vmem_shared>> -> memref<80x128xf32, #tpu.memory_space<vmem_shared>>
      tpu.wait_dma2 semaphore(%run_scoped3A : memref<!tpu.dma_semaphore, #tpu.memory_space<semaphore_mem>>) src(%arg8 : memref<80x128xf32, #tpu.memory_space<vmem>>) dst(%dma_wait3A_41 : memref<80x128xf32, #tpu.memory_space<vmem_shared>>)
      tpu.yield
    }) : () -> ()
    %add3A_20 = arith.constant 400 : i32
    %add3A_21 = arith.addi %mul3A_9, %add3A_20 : i32
    "tpu.region"() ({
      %run_scoped3A = tpu.sem_alloc : memref<!tpu.dma_semaphore, #tpu.memory_space<semaphore_mem>>
      %dma_start3A = arith.constant 0 : i32
      %dma_start3A_36 = tpu.memref_slice %arg5[%add3A_21, %dma_start3A] : memref<10240x128xf32, #tpu.memory_space<vmem_shared>> -> memref<80x128xf32, #tpu.memory_space<vmem_shared>>
      %dma_start3A_37 = arith.constant 0 : i32
      %dma_start3A_38 = tpu.memref_slice %arg5[%add3A_21, %dma_start3A_37] : memref<10240x128xf32, #tpu.memory_space<vmem_shared>> -> memref<80x128xf32, #tpu.memory_space<vmem_shared>>
      tpu.enqueue_dma source(%arg8 : memref<80x128xf32, #tpu.memory_space<vmem>>) target(%dma_start3A_38 : memref<80x128xf32, #tpu.memory_space<vmem_shared>>) target_semaphore(%run_scoped3A : memref<!tpu.dma_semaphore, #tpu.memory_space<semaphore_mem>>)
      %dma_wait3A = arith.constant 0 : i32
      %dma_wait3A_39 = tpu.memref_slice %arg5[%add3A_21, %dma_wait3A] : memref<10240x128xf32, #tpu.memory_space<vmem_shared>> -> memref<80x128xf32, #tpu.memory_space<vmem_shared>>
      %dma_wait3A_40 = arith.constant 0 : i32
      %dma_wait3A_41 = tpu.memref_slice %arg5[%add3A_21, %dma_wait3A_40] : memref<10240x128xf32, #tpu.memory_space<vmem_shared>> -> memref<80x128xf32, #tpu.memory_space<vmem_shared>>
      tpu.wait_dma2 semaphore(%run_scoped3A : memref<!tpu.dma_semaphore, #tpu.memory_space<semaphore_mem>>) src(%arg8 : memref<80x128xf32, #tpu.memory_space<vmem>>) dst(%dma_wait3A_41 : memref<80x128xf32, #tpu.memory_space<vmem_shared>>)
      tpu.yield
    }) : () -> ()
    %add3A_22 = arith.constant 480 : i32
    %add3A_23 = arith.addi %mul3A_9, %add3A_22 : i32
    "tpu.region"() ({
      %run_scoped3A = tpu.sem_alloc : memref<!tpu.dma_semaphore, #tpu.memory_space<semaphore_mem>>
      %dma_start3A = arith.constant 0 : i32
      %dma_start3A_36 = tpu.memref_slice %arg5[%add3A_23, %dma_start3A] : memref<10240x128xf32, #tpu.memory_space<vmem_shared>> -> memref<80x128xf32, #tpu.memory_space<vmem_shared>>
      %dma_start3A_37 = arith.constant 0 : i32
      %dma_start3A_38 = tpu.memref_slice %arg5[%add3A_23, %dma_start3A_37] : memref<10240x128xf32, #tpu.memory_space<vmem_shared>> -> memref<80x128xf32, #tpu.memory_space<vmem_shared>>
      tpu.enqueue_dma source(%arg8 : memref<80x128xf32, #tpu.memory_space<vmem>>) target(%dma_start3A_38 : memref<80x128xf32, #tpu.memory_space<vmem_shared>>) target_semaphore(%run_scoped3A : memref<!tpu.dma_semaphore, #tpu.memory_space<semaphore_mem>>)
      %dma_wait3A = arith.constant 0 : i32
      %dma_wait3A_39 = tpu.memref_slice %arg5[%add3A_23, %dma_wait3A] : memref<10240x128xf32, #tpu.memory_space<vmem_shared>> -> memref<80x128xf32, #tpu.memory_space<vmem_shared>>
      %dma_wait3A_40 = arith.constant 0 : i32
      %dma_wait3A_41 = tpu.memref_slice %arg5[%add3A_23, %dma_wait3A_40] : memref<10240x128xf32, #tpu.memory_space<vmem_shared>> -> memref<80x128xf32, #tpu.memory_space<vmem_shared>>
      tpu.wait_dma2 semaphore(%run_scoped3A : memref<!tpu.dma_semaphore, #tpu.memory_space<semaphore_mem>>) src(%arg8 : memref<80x128xf32, #tpu.memory_space<vmem>>) dst(%dma_wait3A_41 : memref<80x128xf32, #tpu.memory_space<vmem_shared>>)
      tpu.yield
    }) : () -> ()
    %add3A_24 = arith.constant 560 : i32
    %add3A_25 = arith.addi %mul3A_9, %add3A_24 : i32
    "tpu.region"() ({
      %run_scoped3A = tpu.sem_alloc : memref<!tpu.dma_semaphore, #tpu.memory_space<semaphore_mem>>
      %dma_start3A = arith.constant 0 : i32
      %dma_start3A_36 = tpu.memref_slice %arg5[%add3A_25, %dma_start3A] : memref<10240x128xf32, #tpu.memory_space<vmem_shared>> -> memref<80x128xf32, #tpu.memory_space<vmem_shared>>
      %dma_start3A_37 = arith.constant 0 : i32
      %dma_start3A_38 = tpu.memref_slice %arg5[%add3A_25, %dma_start3A_37] : memref<10240x128xf32, #tpu.memory_space<vmem_shared>> -> memref<80x128xf32, #tpu.memory_space<vmem_shared>>
      tpu.enqueue_dma source(%arg8 : memref<80x128xf32, #tpu.memory_space<vmem>>) target(%dma_start3A_38 : memref<80x128xf32, #tpu.memory_space<vmem_shared>>) target_semaphore(%run_scoped3A : memref<!tpu.dma_semaphore, #tpu.memory_space<semaphore_mem>>)
      %dma_wait3A = arith.constant 0 : i32
      %dma_wait3A_39 = tpu.memref_slice %arg5[%add3A_25, %dma_wait3A] : memref<10240x128xf32, #tpu.memory_space<vmem_shared>> -> memref<80x128xf32, #tpu.memory_space<vmem_shared>>
      %dma_wait3A_40 = arith.constant 0 : i32
      %dma_wait3A_41 = tpu.memref_slice %arg5[%add3A_25, %dma_wait3A_40] : memref<10240x128xf32, #tpu.memory_space<vmem_shared>> -> memref<80x128xf32, #tpu.memory_space<vmem_shared>>
      tpu.wait_dma2 semaphore(%run_scoped3A : memref<!tpu.dma_semaphore, #tpu.memory_space<semaphore_mem>>) src(%arg8 : memref<80x128xf32, #tpu.memory_space<vmem>>) dst(%dma_wait3A_41 : memref<80x128xf32, #tpu.memory_space<vmem_shared>>)
      tpu.yield
    }) : () -> ()
    %barrier3A = arith.constant 0 : index
    tpu.barrier barrier_id(%barrier3A)
    "tpu.region"() ({
      %run_scoped3A = tpu.sem_alloc : memref<!tpu.dma_semaphore, #tpu.memory_space<semaphore_mem>>
      %dma_start3A = arith.constant 0 : i32
      %dma_start3A_36 = arith.constant 0 : i32
      %dma_start3A_37 = tpu.memref_slice %arg3[%add3A, %dma_start3A, %dma_start3A_36] : memref<32x125x80xi32, #tpu.memory_space<hbm>> -> memref<1x125x80xi32, #tpu.memory_space<hbm>>
      %dma_start3A_38 = tpu.memref_squeeze %dma_start3A_37 : memref<1x125x80xi32, #tpu.memory_space<hbm>> -> memref<125x80xi32, #tpu.memory_space<hbm>>
      %dma_start3A_39 = arith.constant 0 : i32
      %dma_start3A_40 = arith.constant 0 : i32
      %dma_start3A_41 = tpu.memref_slice %arg3[%add3A, %dma_start3A_39, %dma_start3A_40] : memref<32x125x80xi32, #tpu.memory_space<hbm>> -> memref<1x125x80xi32, #tpu.memory_space<hbm>>
      %dma_start3A_42 = tpu.memref_squeeze %dma_start3A_41 : memref<1x125x80xi32, #tpu.memory_space<hbm>> -> memref<125x80xi32, #tpu.memory_space<hbm>>
      tpu.enqueue_dma source(%dma_start3A_42 : memref<125x80xi32, #tpu.memory_space<hbm>>) target(%arg7 : memref<125x80xi32, #tpu.memory_space<vmem>>) target_semaphore(%run_scoped3A : memref<!tpu.dma_semaphore, #tpu.memory_space<semaphore_mem>>)
      %dma_wait3A = arith.constant 0 : i32
      %dma_wait3A_43 = arith.constant 0 : i32
      %dma_wait3A_44 = tpu.memref_slice %arg3[%add3A, %dma_wait3A, %dma_wait3A_43] : memref<32x125x80xi32, #tpu.memory_space<hbm>> -> memref<1x125x80xi32, #tpu.memory_space<hbm>>
      %dma_wait3A_45 = tpu.memref_squeeze %dma_wait3A_44 : memref<1x125x80xi32, #tpu.memory_space<hbm>> -> memref<125x80xi32, #tpu.memory_space<hbm>>
      %dma_wait3A_46 = arith.constant 0 : i32
      %dma_wait3A_47 = arith.constant 0 : i32
      %dma_wait3A_48 = tpu.memref_slice %arg3[%add3A, %dma_wait3A_46, %dma_wait3A_47] : memref<32x125x80xi32, #tpu.memory_space<hbm>> -> memref<1x125x80xi32, #tpu.memory_space<hbm>>
      %dma_wait3A_49 = tpu.memref_squeeze %dma_wait3A_48 : memref<1x125x80xi32, #tpu.memory_space<hbm>> -> memref<125x80xi32, #tpu.memory_space<hbm>>
      tpu.wait_dma2 semaphore(%run_scoped3A : memref<!tpu.dma_semaphore, #tpu.memory_space<semaphore_mem>>) src(%dma_wait3A_49 : memref<125x80xi32, #tpu.memory_space<hbm>>) dst(%arg7 : memref<125x80xi32, #tpu.memory_space<vmem>>)
      tpu.yield
    }) : () -> ()
    %mul3A_26 = arith.constant 10000 : i32
    %mul3A_27 = arith.muli %add3A, %mul3A_26 : i32
    %scan3A_28 = arith.constant 0 : i32
    %scan3A_29 = arith.constant 0 : i32
    %scan3A_30 = arith.constant 125 : i32
    %scan3A_31 = arith.addi %scan3A_29, %scan3A_30 : i32
    %scan3A_32 = arith.constant 1 : i32
    %scan3A_33 = scf.for %scan3A_36 = %scan3A_29 to %scan3A_31 step %scan3A_32 iter_args(%scan3A_37 = %scan3A_28) -> (i32)  : i32 {
      %mul3A_38 = arith.constant 80 : i32
      %mul3A_39 = arith.muli %scan3A_36, %mul3A_38 : i32
      %add3A_40 = arith.addi %mul3A_27, %mul3A_39 : i32
      "tpu.region"() ({
        %run_scoped3A = tpu.sem_alloc : memref<!tpu.dma_semaphore, #tpu.memory_space<semaphore_mem>>
        %dma_start3A = arith.constant 0 : i32
        %dma_start3A_42 = tpu.memref_slice %arg2[%add3A_40, %dma_start3A] : memref<320000x128xf32, #tpu.memory_space<hbm>> -> memref<80x128xf32, #tpu.memory_space<hbm>>
        %dma_start3A_43 = arith.constant 0 : i32
        %dma_start3A_44 = tpu.memref_slice %arg2[%add3A_40, %dma_start3A_43] : memref<320000x128xf32, #tpu.memory_space<hbm>> -> memref<80x128xf32, #tpu.memory_space<hbm>>
        tpu.enqueue_dma source(%dma_start3A_44 : memref<80x128xf32, #tpu.memory_space<hbm>>) target(%arg6 : memref<80x128xf32, #tpu.memory_space<vmem>>) target_semaphore(%run_scoped3A : memref<!tpu.dma_semaphore, #tpu.memory_space<semaphore_mem>>)
        %dma_wait3A = arith.constant 0 : i32
        %dma_wait3A_45 = tpu.memref_slice %arg2[%add3A_40, %dma_wait3A] : memref<320000x128xf32, #tpu.memory_space<hbm>> -> memref<80x128xf32, #tpu.memory_space<hbm>>
        %dma_wait3A_46 = arith.constant 0 : i32
        %dma_wait3A_47 = tpu.memref_slice %arg2[%add3A_40, %dma_wait3A_46] : memref<320000x128xf32, #tpu.memory_space<hbm>> -> memref<80x128xf32, #tpu.memory_space<hbm>>
        tpu.wait_dma2 semaphore(%run_scoped3A : memref<!tpu.dma_semaphore, #tpu.memory_space<semaphore_mem>>) src(%dma_wait3A_47 : memref<80x128xf32, #tpu.memory_space<hbm>>) dst(%arg6 : memref<80x128xf32, #tpu.memory_space<vmem>>)
        tpu.yield
      }) : () -> ()
      "tpu.region"() ({
        %run_scoped3A = tpu.sem_alloc : memref<!tpu.dma_semaphore, #tpu.memory_space<semaphore_mem>>
        %dma_start3A = arith.constant 0 : i32
        %dma_start3A_42 = tpu.memref_slice %arg7[%scan3A_36, %dma_start3A] : memref<125x80xi32, #tpu.memory_space<vmem>> -> memref<1x80xi32, #tpu.memory_space<vmem>>
        %dma_start3A_43 = tpu.memref_squeeze %dma_start3A_42 : memref<1x80xi32, #tpu.memory_space<vmem>> -> memref<80xi32, #tpu.memory_space<vmem>>
        %dma_start3A_44 = arith.constant 0 : i32
        %dma_start3A_45 = arith.constant 0 : i32
        %dma_start3A_46 = tpu.memref_slice %arg5[%dma_start3A_44, %dma_start3A_45] : memref<10240x128xf32, #tpu.memory_space<vmem_shared>> -> memref<10240x128xf32, #tpu.memory_space<vmem_shared>>
        tpu.enqueue_indirect_dma source(%arg6 : memref<80x128xf32, #tpu.memory_space<vmem>>) target(%dma_start3A_46 : memref<10240x128xf32, #tpu.memory_space<vmem_shared>>) offsets(%dma_start3A_43 : memref<80xi32, #tpu.memory_space<vmem>>) semaphore(%run_scoped3A : memref<!tpu.dma_semaphore, #tpu.memory_space<semaphore_mem>>) {add = true}
        %dma_wait3A = arith.constant 0 : i32
        %dma_wait3A_47 = tpu.memref_slice %arg7[%scan3A_36, %dma_wait3A] : memref<125x80xi32, #tpu.memory_space<vmem>> -> memref<1x80xi32, #tpu.memory_space<vmem>>
        %dma_wait3A_48 = tpu.memref_squeeze %dma_wait3A_47 : memref<1x80xi32, #tpu.memory_space<vmem>> -> memref<80xi32, #tpu.memory_space<vmem>>
        %dma_wait3A_49 = arith.constant 0 : i32
        %dma_wait3A_50 = arith.constant 0 : i32
        %dma_wait3A_51 = tpu.memref_slice %arg5[%dma_wait3A_49, %dma_wait3A_50] : memref<10240x128xf32, #tpu.memory_space<vmem_shared>> -> memref<10240x128xf32, #tpu.memory_space<vmem_shared>>
        tpu.wait_indirect_dma semaphore(%run_scoped3A : memref<!tpu.dma_semaphore, #tpu.memory_space<semaphore_mem>>) src(%arg6 : memref<80x128xf32, #tpu.memory_space<vmem>>) dst(%dma_wait3A_51 : memref<10240x128xf32, #tpu.memory_space<vmem_shared>>)
        tpu.yield
      }) : () -> ()
      %scan3A_41 = arith.constant 0 : i32
      scf.yield %scan3A_41 : i32
    }
    %scan3A_34 = arith.constant 125 : i32
    %barrier3A_35 = arith.constant 0 : index
    tpu.barrier barrier_id(%barrier3A_35)
    "tpu.region"() ({
      %run_scoped3A = tpu.sem_alloc : memref<!tpu.dma_semaphore, #tpu.memory_space<semaphore_mem>>
      %dma_start3A = arith.constant 0 : i32
      %dma_start3A_36 = tpu.memref_slice %arg4[%arg0, %mul3A_9, %dma_start3A] : memref<2x10240x128xf32, #tpu.memory_space<hbm>> -> memref<1x640x128xf32, #tpu.memory_space<hbm>>
      %dma_start3A_37 = tpu.memref_squeeze %dma_start3A_36 : memref<1x640x128xf32, #tpu.memory_space<hbm>> -> memref<640x128xf32, #tpu.memory_space<hbm>>
      %dma_start3A_38 = arith.constant 0 : i32
      %dma_start3A_39 = tpu.memref_slice %arg5[%mul3A_9, %dma_start3A_38] : memref<10240x128xf32, #tpu.memory_space<vmem_shared>> -> memref<640x128xf32, #tpu.memory_space<vmem_shared>>
      tpu.enqueue_dma source(%dma_start3A_39 : memref<640x128xf32, #tpu.memory_space<vmem_shared>>) target(%dma_start3A_37 : memref<640x128xf32, #tpu.memory_space<hbm>>) target_semaphore(%run_scoped3A : memref<!tpu.dma_semaphore, #tpu.memory_space<semaphore_mem>>)
      %dma_wait3A = arith.constant 0 : i32
      %dma_wait3A_40 = tpu.memref_slice %arg4[%arg0, %mul3A_9, %dma_wait3A] : memref<2x10240x128xf32, #tpu.memory_space<hbm>> -> memref<1x640x128xf32, #tpu.memory_space<hbm>>
      %dma_wait3A_41 = tpu.memref_squeeze %dma_wait3A_40 : memref<1x640x128xf32, #tpu.memory_space<hbm>> -> memref<640x128xf32, #tpu.memory_space<hbm>>
      %dma_wait3A_42 = arith.constant 0 : i32
      %dma_wait3A_43 = tpu.memref_slice %arg5[%mul3A_9, %dma_wait3A_42] : memref<10240x128xf32, #tpu.memory_space<vmem_shared>> -> memref<640x128xf32, #tpu.memory_space<vmem_shared>>
      tpu.wait_dma2 semaphore(%run_scoped3A : memref<!tpu.dma_semaphore, #tpu.memory_space<semaphore_mem>>) src(%dma_wait3A_43 : memref<640x128xf32, #tpu.memory_space<vmem_shared>>) dst(%dma_wait3A_41 : memref<640x128xf32, #tpu.memory_space<hbm>>)
      tpu.yield
    }) : () -> ()
    return
  }
}

module attributes {stable_mosaic.version = 14 : i64} {
  func.func @_combine(%arg0: i32, %arg1: memref<2x400x128xf32, #tpu.memory_space<vmem>>, %arg2: memref<400x128xf32, #tpu.memory_space<vmem>>) attributes {dimension_semantics = [#tpu.dimension_semantics<arbitrary>], iteration_bounds = array<i64: 25>, scalar_prefetch = 0 : i64, scratch_operands = 0 : i64, tpu.core_type = #tpu.core_type<tc>, window_params = [{transform_indices = @transform_0, window_bounds = array<i64: 2, 400, 128>}, {transform_indices = @transform_1, window_bounds = array<i64: 400, 128>}]} {
    %get3A = arith.constant 0 : index
    %get3A_0 = arith.constant 0 : index
    %get3A_1 = arith.constant 0 : index
    %get3A_2 = vector.load %arg1[%get3A, %get3A_0, %get3A_1] : memref<2x400x128xf32, #tpu.memory_space<vmem>>, vector<1x400x128xf32>
    %get3A_3 = vector.shape_cast %get3A_2 : vector<1x400x128xf32> to vector<400x128xf32>
    %get3A_4 = arith.constant 1 : index
    %get3A_5 = arith.constant 0 : index
    %get3A_6 = arith.constant 0 : index
    %get3A_7 = vector.load %arg1[%get3A_4, %get3A_5, %get3A_6] : memref<2x400x128xf32, #tpu.memory_space<vmem>>, vector<1x400x128xf32>
    %get3A_8 = vector.shape_cast %get3A_7 : vector<1x400x128xf32> to vector<400x128xf32>
    %add3A = arith.addf %get3A_3, %get3A_8 : vector<400x128xf32>
    %mul3A = arith.constant 0.176776692 : f32
    %mul3A_9 = vector.broadcast %mul3A : f32 to vector<400x128xf32>
    %mul3A_10 = arith.mulf %add3A, %mul3A_9 : vector<400x128xf32>
    %swap3A = arith.constant 0 : index
    %swap3A_11 = arith.constant 0 : index
    %swap3A_12 = vector.load %arg2[%swap3A, %swap3A_11] : memref<400x128xf32, #tpu.memory_space<vmem>>, vector<400x128xf32>
    tpu.vector_store %arg2[%swap3A, %swap3A_11], %mul3A_10 {strides = array<i32>} : memref<400x128xf32, #tpu.memory_space<vmem>>, vector<400x128xf32>,
    return
  }
  func.func @transform_0(%arg0: i32) -> (i32, i32, i32) {
    %c0_i32 = arith.constant 0 : i32
    %c0_i32_0 = arith.constant 0 : i32
    %c0_i32_1 = arith.constant 0 : i32
    return %c0_i32, %arg0, %c0_i32_0 : i32, i32, i32
  }
  func.func @transform_1(%arg0: i32) -> (i32, i32) {
    %c0_i32 = arith.constant 0 : i32
    %c0_i32_0 = arith.constant 0 : i32
    return %arg0, %c0_i32 : i32, i32
  }
}

</mosaic_0001>

<sc_bundles>
// kernel: kernel.4.cloned.1.call-start
scs
__scs_entry_jumppad:
0x0: {  	(pc) =	sbr.rel $0x88, $3  }
0x1: {  	(tag) =	ssettag $0x0;
	lr =	simm.s32 $0x1  }
0x2: {  	[smem:$0x3F9F] =	sst lr;
	_ =	strace $0xD0000000  }
0x3: {  	_ = 	snop  }
0x4: {  	_ = 	snop  }
0x5: {  	_ = 	snop  }
0x6: {  	_ = 	snop  }
0x7: {  	_ = 	snop  }
__scs_overlays_trampoline_lowered:
0x8: {  	[smem:$0x3FAE] =	sst s0  }
0x9: {  	[smem:$0x3FAF] =	sst s1  }
0xa: {  	[smem:$0x3FB0] =	sst s2  }
0xb: {  	[smem:$0x3FB1] =	sst s3  }
0xc: {  	[smem:$0x3FB2] =	sst s4  }
0xd: {  	[smem:$0x3FB3] =	sst s5  }
0xe: {  	[smem:$0x3FB4] =	sst s6  }
0xf: {  	[smem:$0x3FB5] =	sst s7  }
0x10: {  	[smem:$0x3FB6] =	sst s8  }
0x11: {  	[smem:$0x3FB7] =	sst s9;
	s0 =	simm.s32 @!p0 $0x0  }
0x12: {  	s1 =	sld [smem:$0x3F9D];
	s0 =	simm.s32 @p0 $0x1  }
0x13: {  	[smem:$0x3FB8] =	sst s0;
	s0 =	simm.s32 @!p1 $0x0  }
0x14: {  	s2 =	sld [smem:$0x3F9C];
	s0 =	simm.s32 @p1 $0x1  }
0x15: {  	[smem:$0x3FB9] =	sst s0;
	s0 =	simm.s32 @!p2 $0x0  }
0x16: {  	s3 =	sld [smem:$0x3FDB];
	s0 =	simm.s32 @p2 $0x1  }
0x17: {  	s4 =	simm.s32 $0x1BF5;
	[smem:$0x3FBB] =	sst s0  }
0x18: {  	s0 =	sld [smem:$0x3F9E];
	_ =	swait.ge [sflag:s4], $0x0  }
0x19: {  	s7 =	sld [smem:$0x3F9F]  }
0x1a: {  	s8 =	sadd.s32 $0xFFFFE003, lr  }
0x1b: {  	s9 =	sadd.s32 $0xFFFFFEF7, lr;
	s5 =	simm.s32 $0xFFFFFFFF;
	p2 =	slt.u32 s8, $0xFFFFF086  }
0x1c: {  	p1 =	slt.u32 s9, $0xF7A;
	s5 =	simm.s32 @!p2 $0x0  }
0x1d: {  	s5 =	simm.s32 @p1 $0x1;
	p0 =	seq.s32 s7, s2  }
0x1e: {  	s7 =	smul.u32 @!p0 $0xF7A, s2;
	p2 =	seq.s32 @!p0 s5, $0x0  }
0x1f: {  	s9 =	smul.u32 $0xF7A, s1;
	s8 =	simm.s32 @!p0 $0x1BF5;
	p2 =	por !p2, p0  }
0x20: {  	[sflag:s8] =	ssyncset.s32 @!p0 $0xFFFFF086;
	s6 =	sadd.s32 @!p0 s3, s7;
	s7 =	simm.s32 @!p0 $0x108  }
0x21: {  	s3 =	sadd.s32 s3, s9;
	s6 =	sadd.s32 @!p0 $0x88, s6;
	s7 =	simm.s32 @p2 $0x1082  }
0x22: {  	[simem:s7], [sflag:s8] =	dma.local @!p0 [hbm:s6], $0xF7A  }
0x23: {  	s9 =	sor.u32 $0xD0000000, s2;
	s6 =	simm.s32 $0x108;
	_ =	swait.ge @!p0 [sflag:s8], $0x0  }
0x24: {  	s3 =	sadd.s32 $0x88, s3;
	s6 =	simm.s32 @!p1 $0x1082;
	[sflag:s4] =	ssyncset.s32 $0xFFFFF086  }
0x25: {  	[simem:s6], [sflag:s4] =	dma.local [hbm:s3], $0xF7A  }
0x26: {  	[smem:$0x3F9F] =	sst s1;
	(tag) =	ssettag s2;
	_ =	strace s9  }
0x27: {  	s1 =	sld [smem:$0x3FAF]  }
0x28: {  	s2 =	sld [smem:$0x3FB0]  }
0x29: {  	s4 =	sld [smem:$0x3FB2]  }
0x2a: {  	p0 =	seq.s32 s5, $0x0;
	s5 =	sld [smem:$0x3FB3]  }
0x2b: {  	s6 =	sld [smem:$0x3FB4]  }
0x2c: {  	s7 =	sld [smem:$0x3FB5]  }
0x2d: {  	s3 =	simm.s32 $0x108;
	s8 =	sld [smem:$0x3FB6]  }
0x2e: {  	s3 =	simm.s32 @!p0 $0x1082;
	s9 =	sld [smem:$0x3FB7]  }
0x2f: {  	lr =	sadd.s32 s0, s3;
	s0 =	sld [smem:$0x3FAE]  }
0x30: {  	s3 =	sld [smem:$0x3FB1]  }
0x31: {  	[smem:$0x3FBA] =	sst s10  }
0x32: {  	s10 =	sld [smem:$0x3FB8];
	_ =	sdelay $0x3  }
0x33: {  	p0 =	seq.s32 s10, $0x1;
	s10 =	sld [smem:$0x3FBA];
	_ =	sdelay $0x3  }
0x34: {  	[smem:$0x3FBA] =	sst s10  }
0x35: {  	s10 =	sld [smem:$0x3FB9];
	_ =	sdelay $0x3  }
0x36: {  	p1 =	seq.s32 s10, $0x1;
	s10 =	sld [smem:$0x3FBA];
	_ =	sdelay $0x3  }
0x37: {  	[smem:$0x3FBA] =	sst s10  }
0x38: {  	s10 =	sld [smem:$0x3FBB]  }
0x39: {  	_ = 	snop;
	(pc) =	sbr.ind lr, $3  }
0x3a: {  	_ = 	snop  }
0x3b: {  	_ = 	snop  }
0x3c: {  	p2 =	seq.s32 s10, $0x1;
	s10 =	sld [smem:$0x3FBA]  }
0x3d: {  	_ =	shalt  }
0x3e: {  	_ =	shalt  }
0x3f: {  	_ =	shalt  }
0x40: {  	_ =	shalt  }
0x41: {  	_ =	shalt  }
0x42: {  	_ =	shalt  }
0x43: {  	_ =	shalt  }
0x44: {  	_ =	shalt  }
0x45: {  	_ =	shalt  }
0x46: {  	_ =	shalt  }
0x47: {  	_ =	shalt  }
0x48: {  	_ =	shalt  }
0x49: {  	_ =	shalt  }
0x4a: {  	_ =	shalt  }
0x4b: {  	_ =	shalt  }
0x4c: {  	_ =	shalt  }
0x4d: {  	_ =	shalt  }
0x4e: {  	_ =	shalt  }
0x4f: {  	_ =	shalt  }
0x50: {  	_ =	shalt  }
0x51: {  	_ =	shalt  }
0x52: {  	_ =	shalt  }
0x53: {  	_ =	shalt  }
0x54: {  	_ =	shalt  }
0x55: {  	_ =	shalt  }
0x56: {  	_ =	shalt  }
0x57: {  	_ =	shalt  }
0x58: {  	_ =	shalt  }
0x59: {  	_ =	shalt  }
0x5a: {  	_ =	shalt  }
0x5b: {  	_ =	shalt  }
0x5c: {  	_ =	shalt  }
0x5d: {  	_ =	shalt  }
0x5e: {  	_ =	shalt  }
0x5f: {  	_ =	shalt  }
0x60: {  	_ =	shalt  }
0x61: {  	_ =	shalt  }
0x62: {  	_ =	shalt  }
0x63: {  	_ =	shalt  }
0x64: {  	_ =	shalt  }
0x65: {  	_ =	shalt  }
0x66: {  	_ =	shalt  }
0x67: {  	_ =	shalt  }
0x68: {  	_ =	shalt  }
0x69: {  	_ =	shalt  }
0x6a: {  	_ =	shalt  }
0x6b: {  	_ =	shalt  }
0x6c: {  	_ =	shalt  }
0x6d: {  	_ =	shalt  }
0x6e: {  	_ =	shalt  }
0x6f: {  	_ =	shalt  }
0x70: {  	_ =	shalt  }
0x71: {  	_ =	shalt  }
0x72: {  	_ =	shalt  }
0x73: {  	_ =	shalt  }
0x74: {  	_ =	shalt  }
0x75: {  	_ =	shalt  }
0x76: {  	_ =	shalt  }
0x77: {  	_ =	shalt  }
0x78: {  	_ =	shalt  }
0x79: {  	_ =	shalt  }
0x7a: {  	_ =	shalt  }
0x7b: {  	_ =	shalt  }
0x7c: {  	_ =	shalt  }
0x7d: {  	_ =	shalt  }
0x7e: {  	_ =	shalt  }
0x7f: {  	_ =	shalt  }
0x80: {  	_ =	shalt  }
0x81: {  	_ =	shalt  }
0x82: {  	_ =	shalt  }
0x83: {  	_ =	shalt  }
0x84: {  	_ =	shalt  }
0x85: {  	_ =	shalt  }
0x86: {  	_ =	shalt  }
0x87: {  	_ =	shalt  }
.Lfunc_end0:
.L_simem_size_0:
called_computation_lowered:
.L_overlay_start_0:
0x88: {  	s2 =	sld [smem:$0x3FD9]  }
0x89: {  	s3 =	sld [smem:$0x3FFE];
	_ =	sdelay $0x1  }
0x8a: {  	s1 =	srdreg.scid  }
0x8b: {  	s0 =	sand.u32 $0x1, s1  }
0x8c: {  	s17 =	sshll.u32 s0, $0xA;
	s2 =	sadd.s32 s3, s2  }
0x8d: {  	s2 =	sadd.s32 s2, s17  }
0x8e: {  	[smem:$0x3FC6] =	sst s2  }
0x8f: {  	_ = 	snop  }
0x90: {  	s2 =	sld [smem:$0x3FC9]  }
0x91: {  	s18 =	sld [smem:$0x3FD0];
	(tm) =	ssettm $0x1  }
0x92: {  	s4 =	sld [smem:$0x3FFB];
	_ =	sdelay $0x3  }
0x93: {  	_ =	strace s4  }
0x94: {  	s4 =	sld [smem:$0x3FFC];
	_ =	sdelay $0x3  }
0x95: {  	_ =	strace s4  }
0x96: {  	s4 =	sld [smem:$0x3FFD];
	_ =	sdelay $0x3  }
0x97: {  	_ =	strace s4  }
0x98: {  	_ =	strace $0x8FFFFFFF  }
0x99: {  	s19 =	sld [smem:$0x3FDB];
	_ =	sdelay $0x1  }
0x9a: {  	s5 =	simm.s32 $_scs_section_size  }
0x9b: {  	s6 =	simm.s32 $_size__tile_overlayer_lowered;
	s7 =	simm.s32 $_tile_overlayer_lowered  }
0x9c: {  	s22 =	simm.s32 $0x1BFF;
	s21 =	sshll.u32 s7, $0x1;
	s4 =	sadd.s32 s5, s19  }
0x9d: {  	s8 =	simm.s32 $0x0;
	s20 =	sshll.u32 s6, $0x1;
	s6 =	sadd.s32 s21, s4  }
0x9e: {  	[timem:s8], [sflag:s22] =	dma.local [hbm:s6], s20  }
0x9f: {  	_ =	swait.ge [sflag:s22], s20  }
0xa0: {  	s5 =	ssub.s32 $0x0, s20;
	[sflag:s22] =	ssyncset.done $0x0  }
0xa1: {  	[sflag:s22] =	ssyncadd.s32 s5;
	_ =	sdelay $0x1  }
0xa2: {  	s23 =	simm.s32 $0x1B8B  }
0xa3: {  	_ =	swait.ge [sflag:s23], $0x1  }
0xa4: {  	[sflag:s23] =	ssyncset.done $0x0  }
0xa5: {  	s25 =	simm.s32 $0x1B8E;
	s24 =	sld [smem:$0x3FFE];
	[sflag:s23] =	ssyncadd.s32 $0xFFFFFFFF  }
0xa6: {  	s26 =	simm.s32 $execute0_lowered;
	[smem:$0x3FD2] =	sst s25  }
0xa7: {  	s6 =	sshll.u32 s26, $0x1;
	_ =	strace $0x80000046;
	[dreg:$0x1] =	wrdreg $0xFFFFFFFF  }
0xa8: {  	s28 =	simm.s32 $_size_execute0_lowered;
	s4 =	sadd.s32 s4, s6;
	[dreg:$0x0] =	wrdreg $0x0  }
0xa9: {  	s6 =	sshll.u32 s28, $0x1;
	[dreg:$0x2] =	wrdreg s4  }
0xaa: {  	[dreg:$0x3] =	wrdreg s6  }
0xab: {  	[dreg:$0x4] =	wrdreg $0xC0  }
0xac: {  	_ =	task [dreg:s8], $0x5FFFF  }
0xad: {  	[dreg:$0x1] =	wrdreg $0xFFFFFFFF  }
0xae: {  	[dreg:$0x0] =	wrdreg $0x60  }
0xaf: {  	[dreg:$0x2] =	wrdreg s2  }
0xb0: {  	[dreg:$0x3] =	wrdreg s18  }
0xb1: {  	[dreg:$0x4] =	wrdreg s24  }
0xb2: {  	[dreg:$0x5] =	wrdreg $0x0  }
0xb3: {  	[dreg:$0x6] =	wrdreg $0x9  }
0xb4: {  	_ =	task.clear_ibuf [dreg:s8], $0x7FFFF;
	_ =	strace $0x90000046  }
0xb5: {  	s29 =	simm.s32 $0x9;
	_ =	strace $0x80000048  }
0xb6: {  	_ =	swait.ge [sflag:s29], $0x1  }
0xb7: {  	[sflag:s29] =	ssyncadd.s32 $0xFFFFFFFF  }
0xb8: {  	_ =	strace $0x90000048  }
0xb9: {  	_ =	sfence  }
0xba: {  	s30 =	sld [smem:$0x0];
	_ =	sdelay $0x2  }
0xbb: {  	s31 =	sshll.u32 s1, $0xD;
	s1 =	sshrl.u32 s1, $0x2  }
0xbc: {  	s3 =	sand.u32 $0x4000, s31;
	s1 =	sadd.s32 s1, s30  }
0xbd: {  	s0 =	sor.u32 s3, s0;
	s1 =	sshll.u32 s1, $0x11  }
0xbe: {  	s0 =	sor.u32 s1, s0  }
0xbf: {  	s0 =	sadd.s32 $0x8F2B, s0  }
0xc0: {  	[sflag:s0] =	ssyncadd.remote.s32 $0x1  }
0xc1: {  	_ =	sfence.sel $0xFFFF  }
0xc2: {  	[dreg:$0x0] =	wrdreg $0xFFFFFFFF;
	(pc) =	sbr.abs _section_cstart, $3  }
0xc3: {  	[dreg:$0x1] =	wrdreg $0xFFFFFFFF  }
0xc4: {  	_ =	task.clear_ibuf [dreg:s8], $0x2FFFF;
	_ =	strace $0x9FFFFFFF  }
0xc5: {  	(tm) =	ssettm $0x7FFFFFFF  }
tec
execute0_lowered:
.L_overlay_start_1:
0x0: {  	(tag) =	ssettag $0x1  }
0x1: {  	s13 =	rddreg [dreg:$0x0]  }
0x2: {  	s12 =	rddreg [dreg:$0x1]  }
0x3: {  	s4 =	rddreg [dreg:$0x2];
	s0 =	srdreg.scid  }
0x4: {  	s2 =	rddreg [dreg:$0x3];
	s1 =	stileid.u32  }
0x5: {  	s3 =	simm.s32 $0x0;
	s19 =	simm.s32 $0x14000;
	s20 =	simm.s32 $0x50  }
0x6: {  	s10 =	sand.u32 $0x1, s0;
	s0 =	rddreg [dreg:$0x4];
	s6 =	smul.u32 $0x14000, s1  }
0x7: {  	s23 =	simm.s32 $0x0;
	[smem:$0x7FF] =	sst s3;
	s7 =	smul.u32 $0x50000, s1  }
0x8: {  	s11 =	sshll.u32 s1, $0xB;
	s18 =	smul.u32 $0x27100, s1;
	s21 =	sshll.u32 s1, $0x6  }
0x9: {  	s5 =	smul.u32 $0x140000, s10;
	_ =	strace $0x80000047;
	s29 =	ssub.s32 $0x2, s10  }
0xa: {  	s16 =	sshll.u32 s10, $0xF;
	s17 =	smul.u32 $0x271000, s10;
	s21 =	sor.u32 $0x1C01, s21  }
0xb: {  	s7 =	sshrl.u32 s7, $0x2;
	s30 =	sshrl.u32 s29, $0x1;
	s16 =	sor.u32 s11, s16  }
0xc: {  	s5 =	sadd.s32 s6, s5;
	s15 =	ssub.s32 s29, s30;
	s12 =	sadd.s32 s12, s16  }
0xd: {  	s31 =	sadd.s32 s17, s13;
	s16 =	simm.s32 $0x1A800;
	s5 =	sshrl.u32 s5, $0x3  }
0xe: {  	s17 =	simm.s32 $0x1;
	s14 =	sadd.s32 s5, s4;
	s4 =	sadd.s32 s7, s2  }
0xf: {  	s5 =	sadd.s32 $0x2800, s4;
	s6 =	sadd.s32 $0x5000, s4;
	s7 =	sadd.s32 $0x7800, s4  }
0x10: {  	s8 =	sadd.s32 $0xA000, s4;
	s9 =	sadd.s32 $0xC800, s4;
	s10 =	sadd.s32 $0xF000, s4  }
0x11: {  	s11 =	sadd.s32 $0x11800, s4;
	s13 =	sadd.s32 $0x600, s14;
	s14 =	smax.u32 s15, $0x1  }
0x12: {  	v0 =	vimm.f32 $0.0e+00;
	s15 =	sadd.s32 s18, s31;
	s18 =	simm.s32 $0x16800;
	s22 =	sshrl.u32 s4, $0x3  }
.LBB2_1:
0x13: {  	s24 =	simm.s32 $0x0;
	s25 =	simm.s32 $0x200  }
.LBB2_2:
0x14: {  	p0 =	sne.s32 s25, $0x9E00;
	[tilespmem:s24+$0x1A870] =	vst v0  }
0x15: {  	[tilespmem:s24+$0x1A800] =	vst v0  }
0x16: {  	[tilespmem:s24+$0x1A810] =	vst v0  }
.Ltmp0:
0x17: {  	[tilespmem:s24+$0x1A820] =	vst v0;
	(pc) =	sbr.rel @p0 .LBB2_2-.Ltmp0, $4  }
0x18: {  	[tilespmem:s24+$0x1A830] =	vst v0  }
0x19: {  	[tilespmem:s24+$0x1A840] =	vst v0  }
0x1a: {  	[tilespmem:s24+$0x1A850] =	vst v0  }
0x1b: {  	[tilespmem:s24+$0x1A860] =	vst v0;
	s24 =	sshra.s32 s25, $0x2;
	s25 =	sadd.s32 $0x200, s25  }
0x1c: {  	[tilespmem:s24+$0x1A870] =	vst v0  }
0x1d: {  	[tilespmem:s24+$0x1A800] =	vst v0  }
0x1e: {  	[tilespmem:s24+$0x1A810] =	vst v0  }
0x1f: {  	[tilespmem:s24+$0x1A820] =	vst v0  }
0x20: {  	[tilespmem:s24+$0x1A830] =	vst v0  }
0x21: {  	[tilespmem:s24+$0x1A840] =	vst v0  }
0x22: {  	[tilespmem:s24+$0x1A850] =	vst v0  }
0x23: {  	[tilespmem:s24+$0x1A860] =	vst v0  }
0x24: {  	[spmem:s4] =	stream.linear.scatter [tilespmem:s16], [sflag:$0x1], $0x2800, $0x38;
	[tilespmem:$0x1D000] =	vst v63  }
0x25: {  	_ =	swait.ge [sflag:s17], $0x2800  }
0x26: {  	[sflag:s17] =	ssyncset.done $0x0  }
0x27: {  	[sflag:s17] =	ssyncadd.s32 $0xFFFFD800  }
0x28: {  	[spmem:s5] =	stream.linear.scatter [tilespmem:s16], [sflag:$0x1], $0x2800, $0x38;
	[tilespmem:$0x1D000] =	vst v63  }
0x29: {  	_ =	swait.ge [sflag:s17], $0x2800  }
0x2a: {  	[sflag:s17] =	ssyncset.done $0x0  }
0x2b: {  	[sflag:s17] =	ssyncadd.s32 $0xFFFFD800  }
0x2c: {  	[spmem:s6] =	stream.linear.scatter [tilespmem:s16], [sflag:$0x1], $0x2800, $0x38;
	[tilespmem:$0x1D000] =	vst v63  }
0x2d: {  	_ =	swait.ge [sflag:s17], $0x2800  }
0x2e: {  	[sflag:s17] =	ssyncset.done $0x0  }
0x2f: {  	[sflag:s17] =	ssyncadd.s32 $0xFFFFD800  }
0x30: {  	[spmem:s7] =	stream.linear.scatter [tilespmem:s16], [sflag:$0x1], $0x2800, $0x38;
	[tilespmem:$0x1D000] =	vst v63  }
0x31: {  	_ =	swait.ge [sflag:s17], $0x2800  }
0x32: {  	[sflag:s17] =	ssyncset.done $0x0  }
0x33: {  	[sflag:s17] =	ssyncadd.s32 $0xFFFFD800  }
0x34: {  	[spmem:s8] =	stream.linear.scatter [tilespmem:s16], [sflag:$0x1], $0x2800, $0x38;
	[tilespmem:$0x1D000] =	vst v63  }
0x35: {  	_ =	swait.ge [sflag:s17], $0x2800  }
0x36: {  	[sflag:s17] =	ssyncset.done $0x0  }
0x37: {  	[sflag:s17] =	ssyncadd.s32 $0xFFFFD800  }
0x38: {  	[spmem:s9] =	stream.linear.scatter [tilespmem:s16], [sflag:$0x1], $0x2800, $0x38;
	[tilespmem:$0x1D000] =	vst v63  }
0x39: {  	_ =	swait.ge [sflag:s17], $0x2800  }
0x3a: {  	[sflag:s17] =	ssyncset.done $0x0  }
0x3b: {  	[sflag:s17] =	ssyncadd.s32 $0xFFFFD800  }
0x3c: {  	[spmem:s10] =	stream.linear.scatter [tilespmem:s16], [sflag:$0x1], $0x2800, $0x38;
	[tilespmem:$0x1D000] =	vst v63  }
0x3d: {  	_ =	swait.ge [sflag:s17], $0x2800  }
0x3e: {  	[sflag:s17] =	ssyncset.done $0x0  }
0x3f: {  	[sflag:s17] =	ssyncadd.s32 $0xFFFFD800  }
0x40: {  	[spmem:s11] =	stream.linear.scatter [tilespmem:s16], [sflag:$0x1], $0x2800, $0x38;
	[tilespmem:$0x1D000] =	vst v63  }
0x41: {  	_ =	swait.ge [sflag:s17], $0x2800  }
0x42: {  	[sflag:s17] =	ssyncset.done $0x0  }
0x43: {  	[sflag:s17] =	ssyncadd.s32 $0xFFFFD800  }
0x44: {  	s30 =	simm.s32 $0x0;
	[bflag:$0x0] =	sbarrier.arrive $0xFFFF  }
0x45: {  	[tilespmem:s18], [sflag:$0x1] =	stream.linear.gather [hbm4b:s12+s30], $0x3E80, $0x38;
	[tilespmem:$0x1D000] =	vst v63  }
0x46: {  	_ =	swait.ge [sflag:s17], $0x3E80  }
0x47: {  	[sflag:s17] =	ssyncset.done $0x0  }
0x48: {  	[sflag:s17] =	ssyncadd.s32 $0xFFFFC180  }
0x49: {  	[tilespmem:s19], [sflag:$0x1] =	stream.linear.gather [hbm4b:s15+s3], $0x2800, $0x38;
	[tilespmem:$0x1D000] =	vst v63  }
0x4a: {  	_ =	swait.ge [sflag:s17], $0x2800  }
0x4b: {  	[sflag:s17] =	ssyncset.done $0x0  }
0x4c: {  	s31 =	simm.s32 $0x16800;
	[sflag:s17] =	ssyncadd.s32 $0xFFFFD800  }
0x4d: {  	[spmem:s2] =	stream.indirect.scatter.add.f32 [tilespmem:s19], [sflag:$0x1], $0x80, s31, s20, $0xb8;
	[tilespmem:$0x1D000] =	vst v63  }
0x4e: {  	_ =	swait.ge [sflag:s17], $0x2800  }
0x4f: {  	s24 =	simm.s32 $0x200;
	s25 =	smov.u32 s15;
	[sflag:s17] =	ssyncset.done $0x0  }
.LBB2_4:
0x50: {  	p0 =	sne.s32 s24, $0xF800;
	[sflag:s17] =	ssyncadd.s32 $0xFFFFD800;
	s25 =	sadd.s32 $0x500, s25  }
0x51: {  	[tilespmem:s19], [sflag:$0x1] =	stream.linear.gather [hbm4b:s25+s3], $0x2800, $0x38;
	[tilespmem:$0x1D000] =	vst v63  }
0x52: {  	s26 =	smov.u32 s24;
	s24 =	sadd.s32 $0x200, s24;
	_ =	swait.ge [sflag:s17], $0x2800  }
.Ltmp1:
0x53: {  	s26 =	sshra.s32 s26, $0x2;
	[sflag:s17] =	ssyncset.done $0x0;
	(pc) =	sbr.rel @p0 .LBB2_4-.Ltmp1, $4  }
0x54: {  	s26 =	sadd.s32 $0x16800, s26;
	[sflag:s17] =	ssyncadd.s32 $0xFFFFD800  }
0x55: {  	[spmem:s2] =	stream.indirect.scatter.add.f32 [tilespmem:s19], [sflag:$0x1], $0x80, s26, s20, $0xb8;
	[tilespmem:$0x1D000] =	vst v63  }
0x56: {  	_ =	swait.ge [sflag:s17], $0x2800  }
0x57: {  	[sflag:s17] =	ssyncset.done $0x0  }
0x58: {  	s23 =	sadd.s32 $0x1, s23  }
0x59: {  	[sflag:s17] =	ssyncadd.s32 $0xFFFFD800;
	p0 =	sne.s32 s23, s14  }
.Ltmp2:
0x5a: {  	[bflag:$0x0] =	sbarrier.arrive $0xFFFF;
	(pc) =	sbr.rel @p0 .LBB2_1-.Ltmp2, $4  }
0x5b: {  	[hbm:s13], [sflag:s21] =	dma.local [spmem:s22], $0x2800  }
0x5c: {  	_ =	swait.ge [sflag:s17], $0x2800  }
0x5d: {  	[sflag:s17] =	ssyncset.done $0x0  }
0x5e: {  	[sflag:s17] =	ssyncadd.s32 $0xFFFFD800  }
0x5f: {  	_ =	sfence.sel $0x180000  }
0x60: {  	[bflag:$0x0] =	sbarrier.arrive $0xFFFF  }
0x61: {  	p0 =	sne.s32 s1, $0x0;
	_ =	strace $0x90000047  }
0x62: {  	s0 =	sadd.s32 @!p0 $0x100000, s0;
	[bflag:$0x2] =	sbarrier.arrive $0xFFFF  }
0x63: {  	[sflag:s0] =	ssyncadd.tile.s32 @!p0 $0x1;
	_ =	shalt  }
.Lfunc_end2:
_tile_overlayer_lowered:
.L_overlay_start_2:
0x64: {  	(tag) =	ssettag $0x2  }
0x65: {  	s0 =	rddreg [dreg:$0x0];
	s2 =	stileid.u32  }
0x66: {  	s1 =	rddreg [dreg:$0x1];
	p0 =	sne.s32 s2, $0x0  }
0x67: {  	s3 =	rddreg [dreg:$0x2];
	[bflag:$0x3] =	sbarrier.arrive $0xFFFF;
	s2 =	simm.s32 @!p0 $0x1C01  }
0x68: {  	[timem:s3], [sflag:s2] =	dma.local @!p0 [hbm:s0], s1  }
0x69: {  	s0 =	simm.s32 @!p0 $0x1  }
0x6a: {  	_ =	swait.ge @!p0 [sflag:s0], s1  }
0x6b: {  	s1 =	ssub.s32 @!p0 $0x0, s1;
	[sflag:s0] =	ssyncset.done @!p0 $0x0  }
0x6c: {  	[sflag:s0] =	ssyncadd.s32 @!p0 s1  }
0x6d: {  	[bflag:$0x3] =	sbarrier.arrive $0xFFFF  }
0x6e: {  	_ =	shalt  }

</sc_bundles>
